<compile_context>
chip_gen: v7x
topology: tpu7x:2x2x1
jax: 0.10.2.dev20260603
libtpu: 0.0.44.dev20260713+nightly
codegen_flags: <defaults>
</compile_context>

<pallas_src>
import jax
import jax.numpy as jnp
from jax import lax
from jax.experimental import pallas as pl
from jax.experimental.pallas import tpu as pltpu
from jax.experimental.pallas import tpu_sc as plsc

N = 100000
D = 512
S = 15000

L = 16
NC = 2
NS = 16
NW = NC * NS
CHUNK = 3200
NPAD = NW * CHUNK
CHUNK2 = NPAD // NS
S_HALF = 7504
S_OFF = S - S_HALF

ROWS_BLK = 4096
NBLK = (N + ROWS_BLK - 1) // ROWS_BLK


def _mask_sc_body(seeds_hbm, mask_a_hbm, mask_b_hbm, seeds_v, mask_v):
    c = lax.axis_index("c")
    base = lax.axis_index("s") * CHUNK2
    off = pl.multiple_of(c * S_OFF, 8)
    pltpu.sync_copy(seeds_hbm.at[pl.ds(off, S_HALF)], seeds_v)

    ones = jnp.ones((L,), jnp.float32)
    zeros = jnp.zeros((L,), jnp.float32)

    @plsc.parallel_loop(0, CHUNK2, L, unroll=8)
    def _init(i):
        mask_v[pl.ds(i, L)] = ones

    @plsc.parallel_loop(0, S_HALF, L, unroll=8)
    def _scan(g):
        s = seeds_v[pl.ds(g, L)]
        local = s - base
        inr = (local >= 0) & (local < CHUNK2)
        idx = jnp.where(inr, local, 0)
        plsc.store_scatter(mask_v, [idx], zeros, mask=inr)

    @pl.when(c == 0)
    def _store_a():
        pltpu.sync_copy(mask_v, mask_a_hbm.at[pl.ds(base, CHUNK2)])

    @pl.when(c == 1)
    def _store_b():
        pltpu.sync_copy(mask_v, mask_b_hbm.at[pl.ds(base, CHUNK2)])


def _build_mask(seeds_padded):
    mesh = plsc.VectorSubcoreMesh(core_axis_name="c", subcore_axis_name="s")
    return pl.kernel(
        _mask_sc_body,
        mesh=mesh,
        out_type=(jax.ShapeDtypeStruct((NPAD,), jnp.float32),
                  jax.ShapeDtypeStruct((NPAD,), jnp.float32)),
        scratch_types=[
            pltpu.VMEM((S_HALF,), jnp.int32),
            pltpu.VMEM((CHUNK2,), jnp.float32),
        ],
        compiler_params=pltpu.CompilerParams(needs_layout_passes=False),
    )(seeds_padded)


def _blend_body(emb_ref, ma_ref, mb_ref, tok_ref, out_ref):
    i = pl.program_id(0)
    sl = pl.ds(i * ROWS_BLK, ROWS_BLK)
    m = (ma_ref[sl] * mb_ref[sl]).reshape(ROWS_BLK, 1)
    out_ref[...] = jnp.where(m == 0.0, tok_ref[...], emb_ref[...])


def kernel(embeds, seeds, mask_token):
    mask_a, mask_b = _build_mask(seeds)

    out = pl.pallas_call(
        _blend_body,
        grid=(NBLK,),
        in_specs=[
            pl.BlockSpec((ROWS_BLK, D), lambda i: (i, 0)),
            pl.BlockSpec((NPAD,), lambda i: (0,)),
            pl.BlockSpec((NPAD,), lambda i: (0,)),
            pl.BlockSpec((1, D), lambda i: (0, 0)),
        ],
        out_specs=pl.BlockSpec((ROWS_BLK, D), lambda i: (i, 0)),
        out_shape=jax.ShapeDtypeStruct((N, D), jnp.float32),
    )(embeds, mask_a, mask_b, mask_token)
    return (out, seeds)

# --- scband reference (transcript-rebuilt; emitter-appended) ---
"""Pipeline reference for scband-mask-82076825027100 (READ-ONLY COPY).

The authoritative reference and input builder live on the scoring server;
editing this copy changes nothing except your own understanding.
"""

import jax, jax.numpy as jnp
import numpy as np

N = 100000
D = 512
MASK_RATIO = 0.15

def setup_inputs(seed: int = 0) -> dict:
    key = jax.random.key(seed)
    k1, k2 = jax.random.split(key, 2)
    embeds = jax.random.normal(k1, (N, D), dtype=jnp.float32)
    # np.random.choice(N, size=int(N*ratio), replace=False) equivalent:
    n_seeds = max(int(N * MASK_RATIO), 1)
    perm = jax.random.permutation(k2, N)
    seeds = perm[:n_seeds].astype(jnp.int32)
    # learned parameter: mask_token initialized to zeros, shape (1, D)
    mask_token = jnp.zeros((1, D), dtype=jnp.float32)
    return {"embeds": embeds, "seeds": seeds, "mask_token": mask_token}

def reference(embeds, seeds, mask_token):
    # mask = ones(N); mask[seeds] = 0  -> scatter-overwrite
    mask = jnp.ones((embeds.shape[0],), dtype=embeds.dtype).at[seeds].set(0.0)
    mask = mask.reshape(-1, 1)
    masked_embeds = embeds * mask + mask_token * (1.0 - mask)
    return (masked_embeds, seeds)

if __name__ == "__main__":
    import jax
    _d = setup_inputs()
    print(jax.jit(kernel)(*tuple(_d.values())))

</pallas_src>

<mosaic_0001>
#map = affine_map<(d0, d1) -> (0)>
module attributes {stable_mosaic.version = 14 : i64} {
  func.func @_mask_sc_body(%arg0: i32, %arg1: i32, %arg2: memref<15000xi32, #tpu.memory_space<hbm>>, %arg3: memref<102400xf32, #tpu.memory_space<hbm>>, %arg4: memref<102400xf32, #tpu.memory_space<hbm>>, %arg5: memref<7504xi32, #tpu.memory_space<vmem>>, %arg6: memref<6400xf32, #tpu.memory_space<vmem>>) attributes {dimension_semantics = [#tpu.dimension_semantics<core_parallel>, #tpu.dimension_semantics<subcore_parallel>], iteration_bounds = array<i64: 2, 16>, scalar_prefetch = 0 : i64, scratch_operands = 2 : i64, tpu.core_type = #tpu.core_type<sc_vector_subcore>, window_params = [{transform_indices = #map}, {transform_indices = #map}, {transform_indices = #map}]} {
    %mul3A = arith.constant 6400 : i32
    %mul3A_0 = arith.muli %arg1, %mul3A : i32
    %mul3A_1 = arith.constant 7496 : i32
    %mul3A_2 = arith.muli %arg0, %mul3A_1 : i32
    %multiple_of3A = tpu.assume_multiple %mul3A_2, 8 : i32
    "tpu.region"() ({
      %run_scoped3A = tpu.sem_alloc : memref<!tpu.dma_semaphore, #tpu.memory_space<semaphore_mem>>
      %dma_start3A = tpu.memref_slice %arg2[%multiple_of3A] : memref<15000xi32, #tpu.memory_space<hbm>> -> memref<7504xi32, #tpu.memory_space<hbm>>
      %dma_start3A_18 = tpu.memref_slice %arg2[%multiple_of3A] : memref<15000xi32, #tpu.memory_space<hbm>> -> memref<7504xi32, #tpu.memory_space<hbm>>
      tpu.enqueue_dma source(%dma_start3A_18 : memref<7504xi32, #tpu.memory_space<hbm>>) target(%arg5 : memref<7504xi32, #tpu.memory_space<vmem>>) target_semaphore(%run_scoped3A : memref<!tpu.dma_semaphore, #tpu.memory_space<semaphore_mem>>)
      %dma_wait3A = tpu.memref_slice %arg2[%multiple_of3A] : memref<15000xi32, #tpu.memory_space<hbm>> -> memref<7504xi32, #tpu.memory_space<hbm>>
      %dma_wait3A_19 = tpu.memref_slice %arg2[%multiple_of3A] : memref<15000xi32, #tpu.memory_space<hbm>> -> memref<7504xi32, #tpu.memory_space<hbm>>
      tpu.wait_dma2 semaphore(%run_scoped3A : memref<!tpu.dma_semaphore, #tpu.memory_space<semaphore_mem>>) src(%dma_wait3A_19 : memref<7504xi32, #tpu.memory_space<hbm>>) dst(%arg5 : memref<7504xi32, #tpu.memory_space<vmem>>)
      tpu.yield
    }) : () -> ()
    %broadcast_in_dim3A = arith.constant 1.000000e+00 : f32
    %broadcast_in_dim3A_3 = vector.broadcast %broadcast_in_dim3A : f32 to vector<16xf32>
    %broadcast_in_dim3A_4 = arith.constant 0.000000e+00 : f32
    %broadcast_in_dim3A_5 = vector.broadcast %broadcast_in_dim3A_4 : f32 to vector<16xf32>
    %parallel_loop3A = arith.constant 0 : i32
    %parallel_loop3A_6 = arith.constant 6400 : i32
    %parallel_loop3A_7 = arith.constant 16 : i32
    scf.for %parallel_loop3A_18 = %parallel_loop3A to %parallel_loop3A_6 step %parallel_loop3A_7  : i32 {
      %parallel_loop3A_19 = arith.index_cast %parallel_loop3A_18 : i32 to index
      %parallel_loop3A_20 = tpu.vector_load %arg6[%parallel_loop3A_19] {strides = array<i32>} : memref<6400xf32, #tpu.memory_space<vmem>>, vector<16xf32>,
      tpu.vector_store %arg6[%parallel_loop3A_19], %broadcast_in_dim3A_3 {strides = array<i32>} : memref<6400xf32, #tpu.memory_space<vmem>>, vector<16xf32>,
    } {sc.loop_unroll_factor = 8 : i64, sc.parallel_access}
    %parallel_loop3A_8 = arith.constant 0 : i32
    %parallel_loop3A_9 = arith.constant 7504 : i32
    %parallel_loop3A_10 = arith.constant 16 : i32
    scf.for %parallel_loop3A_18 = %parallel_loop3A_8 to %parallel_loop3A_9 step %parallel_loop3A_10  : i32 {
      %parallel_loop3A_19 = arith.index_cast %parallel_loop3A_18 : i32 to index
      %parallel_loop3A_20 = tpu.vector_load %arg5[%parallel_loop3A_19] {strides = array<i32>} : memref<7504xi32, #tpu.memory_space<vmem>>, vector<16xi32>,
      %parallel_loop3A_21 = vector.broadcast %mul3A_0 : i32 to vector<16xi32>
      %parallel_loop3A_22 = arith.subi %parallel_loop3A_20, %parallel_loop3A_21 : vector<16xi32>
      %parallel_loop3A_23 = arith.constant 0 : i32
      %parallel_loop3A_24 = vector.broadcast %parallel_loop3A_23 : i32 to vector<16xi32>
      %parallel_loop3A_25 = arith.cmpi sge, %parallel_loop3A_22, %parallel_loop3A_24 : vector<16xi32>
      %parallel_loop3A_26 = arith.constant 6400 : i32
      %parallel_loop3A_27 = vector.broadcast %parallel_loop3A_26 : i32 to vector<16xi32>
      %parallel_loop3A_28 = arith.cmpi slt, %parallel_loop3A_22, %parallel_loop3A_27 : vector<16xi32>
      %parallel_loop3A_29 = arith.andi %parallel_loop3A_25, %parallel_loop3A_28 : vector<16xi1>
      %parallel_loop3A_30 = arith.constant 0 : i32
      %parallel_loop3A_31 = vector.broadcast %parallel_loop3A_30 : i32 to vector<16xi32>
      %parallel_loop3A_32 = arith.select %parallel_loop3A_29, %parallel_loop3A_22, %parallel_loop3A_31 : vector<16xi1>, vector<16xi32>
      tpu.vector_store_idx %arg6[%parallel_loop3A_32], %broadcast_in_dim3A_5 masked %parallel_loop3A_29 : memref<6400xf32, #tpu.memory_space<vmem>>[vector<16xi32>], vector<16xf32>, vector<16xi1>
    } {sc.loop_unroll_factor = 8 : i64, sc.parallel_access}
    %eq3A = arith.constant 0 : i32
    %eq3A_11 = arith.cmpi eq, %arg0, %eq3A : i32
    %convert_element_type3A = arith.extui %eq3A_11 : i1 to i32
    %cond3A = arith.constant 0 : i32
    %cond3A_12 = arith.cmpi ne, %convert_element_type3A, %cond3A : i32
    scf.if %cond3A_12 {
      "tpu.region"() ({
        %run_scoped3A = tpu.sem_alloc : memref<!tpu.dma_semaphore, #tpu.memory_space<semaphore_mem>>
        %dma_start3A = tpu.memref_slice %arg3[%mul3A_0] : memref<102400xf32, #tpu.memory_space<hbm>> -> memref<6400xf32, #tpu.memory_space<hbm>>
        %dma_start3A_18 = tpu.memref_slice %arg3[%mul3A_0] : memref<102400xf32, #tpu.memory_space<hbm>> -> memref<6400xf32, #tpu.memory_space<hbm>>
        tpu.enqueue_dma source(%arg6 : memref<6400xf32, #tpu.memory_space<vmem>>) target(%dma_start3A_18 : memref<6400xf32, #tpu.memory_space<hbm>>) target_semaphore(%run_scoped3A : memref<!tpu.dma_semaphore, #tpu.memory_space<semaphore_mem>>)
        %dma_wait3A = tpu.memref_slice %arg3[%mul3A_0] : memref<102400xf32, #tpu.memory_space<hbm>> -> memref<6400xf32, #tpu.memory_space<hbm>>
        %dma_wait3A_19 = tpu.memref_slice %arg3[%mul3A_0] : memref<102400xf32, #tpu.memory_space<hbm>> -> memref<6400xf32, #tpu.memory_space<hbm>>
        tpu.wait_dma2 semaphore(%run_scoped3A : memref<!tpu.dma_semaphore, #tpu.memory_space<semaphore_mem>>) src(%arg6 : memref<6400xf32, #tpu.memory_space<vmem>>) dst(%dma_wait3A_19 : memref<6400xf32, #tpu.memory_space<hbm>>)
        tpu.yield
      }) : () -> ()
    } else {
    }
    %eq3A_13 = arith.constant 1 : i32
    %eq3A_14 = arith.cmpi eq, %arg0, %eq3A_13 : i32
    %convert_element_type3A_15 = arith.extui %eq3A_14 : i1 to i32
    %cond3A_16 = arith.constant 0 : i32
    %cond3A_17 = arith.cmpi ne, %convert_element_type3A_15, %cond3A_16 : i32
    scf.if %cond3A_17 {
      "tpu.region"() ({
        %run_scoped3A = tpu.sem_alloc : memref<!tpu.dma_semaphore, #tpu.memory_space<semaphore_mem>>
        %dma_start3A = tpu.memref_slice %arg4[%mul3A_0] : memref<102400xf32, #tpu.memory_space<hbm>> -> memref<6400xf32, #tpu.memory_space<hbm>>
        %dma_start3A_18 = tpu.memref_slice %arg4[%mul3A_0] : memref<102400xf32, #tpu.memory_space<hbm>> -> memref<6400xf32, #tpu.memory_space<hbm>>
        tpu.enqueue_dma source(%arg6 : memref<6400xf32, #tpu.memory_space<vmem>>) target(%dma_start3A_18 : memref<6400xf32, #tpu.memory_space<hbm>>) target_semaphore(%run_scoped3A : memref<!tpu.dma_semaphore, #tpu.memory_space<semaphore_mem>>)
        %dma_wait3A = tpu.memref_slice %arg4[%mul3A_0] : memref<102400xf32, #tpu.memory_space<hbm>> -> memref<6400xf32, #tpu.memory_space<hbm>>
        %dma_wait3A_19 = tpu.memref_slice %arg4[%mul3A_0] : memref<102400xf32, #tpu.memory_space<hbm>> -> memref<6400xf32, #tpu.memory_space<hbm>>
        tpu.wait_dma2 semaphore(%run_scoped3A : memref<!tpu.dma_semaphore, #tpu.memory_space<semaphore_mem>>) src(%arg6 : memref<6400xf32, #tpu.memory_space<vmem>>) dst(%dma_wait3A_19 : memref<6400xf32, #tpu.memory_space<hbm>>)
        tpu.yield
      }) : () -> ()
    } else {
    }
    return
  }
}

module attributes {stable_mosaic.version = 14 : i64} {
  func.func @_blend_body(%arg0: i32, %arg1: memref<4096x512xf32, #tpu.memory_space<vmem>>, %arg2: memref<102400xf32, #tpu.memory_space<vmem>>, %arg3: memref<102400xf32, #tpu.memory_space<vmem>>, %arg4: memref<1x512xf32, #tpu.memory_space<vmem>>, %arg5: memref<4096x512xf32, #tpu.memory_space<vmem>>) attributes {dimension_semantics = [#tpu.dimension_semantics<arbitrary>], iteration_bounds = array<i64: 25>, scalar_prefetch = 0 : i64, scratch_operands = 0 : i64, tpu.core_type = #tpu.core_type<tc>, window_params = [{transform_indices = @transform_0, window_bounds = array<i64: 4096, 512>}, {pipeline_mode = #tpu.pipeline_mode<synchronous>, transform_indices = @transform_1, window_bounds = array<i64: 102400>}, {pipeline_mode = #tpu.pipeline_mode<synchronous>, transform_indices = @transform_2, window_bounds = array<i64: 102400>}, {pipeline_mode = #tpu.pipeline_mode<synchronous>, transform_indices = @transform_3, window_bounds = array<i64: 1, 512>}, {transform_indices = @transform_4, window_bounds = array<i64: 4096, 512>}]} {
    %mul3A = arith.constant 4096 : i32
    %mul3A_0 = arith.muli %arg0, %mul3A : i32
    %get3A = arith.index_cast %mul3A_0 : i32 to index
    %get3A_1 = vector.load %arg2[%get3A] : memref<102400xf32, #tpu.memory_space<vmem>>, vector<4096xf32>
    %get3A_2 = arith.index_cast %mul3A_0 : i32 to index
    %get3A_3 = vector.load %arg3[%get3A_2] : memref<102400xf32, #tpu.memory_space<vmem>>, vector<4096xf32>
    %mul3A_4 = arith.mulf %get3A_1, %get3A_3 : vector<4096xf32>
    %reshape3A = vector.shape_cast %mul3A_4 : vector<4096xf32> to vector<4096x1xf32>
    %eq3A = arith.constant 0.000000e+00 : f32
    %eq3A_5 = vector.broadcast %eq3A : f32 to vector<4096x1xf32>
    %eq3A_6 = arith.cmpf oeq, %reshape3A, %eq3A_5 : vector<4096x1xf32>
    %get3A_7 = arith.constant 0 : index
    %get3A_8 = arith.constant 0 : index
    %get3A_9 = vector.load %arg4[%get3A_7, %get3A_8] : memref<1x512xf32, #tpu.memory_space<vmem>>, vector<1x512xf32>
    %get3A_10 = arith.constant 0 : index
    %get3A_11 = arith.constant 0 : index
    %get3A_12 = vector.load %arg1[%get3A_10, %get3A_11] : memref<4096x512xf32, #tpu.memory_space<vmem>>, vector<4096x512xf32>
    %broadcast_in_dim3A = vector.shape_cast %eq3A_6 : vector<4096x1xi1> to vector<4096x1xi1>
    %broadcast_in_dim3A_13 = vector.broadcast %broadcast_in_dim3A : vector<4096x1xi1> to vector<4096x512xi1>
    %broadcast_in_dim3A_14 = vector.shape_cast %get3A_9 : vector<1x512xf32> to vector<1x512xf32>
    %broadcast_in_dim3A_15 = vector.broadcast %broadcast_in_dim3A_14 : vector<1x512xf32> to vector<4096x512xf32>
    %select_n3A = arith.select %broadcast_in_dim3A_13, %broadcast_in_dim3A_15, %get3A_12 : vector<4096x512xi1>, vector<4096x512xf32>
    %swap3A = arith.constant 0 : index
    %swap3A_16 = arith.constant 0 : index
    %swap3A_17 = vector.load %arg5[%swap3A, %swap3A_16] : memref<4096x512xf32, #tpu.memory_space<vmem>>, vector<4096x512xf32>
    tpu.vector_store %arg5[%swap3A, %swap3A_16], %select_n3A {strides = array<i32>} : memref<4096x512xf32, #tpu.memory_space<vmem>>, vector<4096x512xf32>,
    return
  }
  func.func @transform_0(%arg0: i32) -> (i32, i32) {
    %c0_i32 = arith.constant 0 : i32
    %c0_i32_0 = arith.constant 0 : i32
    return %arg0, %c0_i32 : i32, i32
  }
  func.func @transform_1(%arg0: i32) -> i32 {
    %c0_i32 = arith.constant 0 : i32
    %c0_i32_0 = arith.constant 0 : i32
    return %c0_i32 : i32
  }
  func.func @transform_2(%arg0: i32) -> i32 {
    %c0_i32 = arith.constant 0 : i32
    %c0_i32_0 = arith.constant 0 : i32
    return %c0_i32 : i32
  }
  func.func @transform_3(%arg0: i32) -> (i32, i32) {
    %c0_i32 = arith.constant 0 : i32
    %c0_i32_0 = arith.constant 0 : i32
    %c0_i32_1 = arith.constant 0 : i32
    return %c0_i32, %c0_i32_0 : i32, i32
  }
  func.func @transform_4(%arg0: i32) -> (i32, i32) {
    %c0_i32 = arith.constant 0 : i32
    %c0_i32_0 = arith.constant 0 : i32
    return %arg0, %c0_i32 : i32, i32
  }
}

</mosaic_0001>

<sc_bundles>
// kernel: kernel.4.cloned.1.call-start
scs
__scs_entry_jumppad:
0x0: {  	(pc) =	sbr.rel $0x88, $3  }
0x1: {  	(tag) =	ssettag $0x0;
	lr =	simm.s32 $0x1  }
0x2: {  	[smem:$0x3F9E] =	sst lr;
	_ =	strace $0xD0000000  }
0x3: {  	_ = 	snop  }
0x4: {  	_ = 	snop  }
0x5: {  	_ = 	snop  }
0x6: {  	_ = 	snop  }
0x7: {  	_ = 	snop  }
__scs_overlays_trampoline_lowered:
0x8: {  	[smem:$0x3FAD] =	sst s0  }
0x9: {  	[smem:$0x3FAE] =	sst s1  }
0xa: {  	[smem:$0x3FAF] =	sst s2  }
0xb: {  	[smem:$0x3FB0] =	sst s3  }
0xc: {  	[smem:$0x3FB1] =	sst s4  }
0xd: {  	[smem:$0x3FB2] =	sst s5  }
0xe: {  	[smem:$0x3FB3] =	sst s6  }
0xf: {  	[smem:$0x3FB4] =	sst s7  }
0x10: {  	[smem:$0x3FB5] =	sst s8  }
0x11: {  	[smem:$0x3FB6] =	sst s9;
	s0 =	simm.s32 @!p0 $0x0  }
0x12: {  	s1 =	sld [smem:$0x3F9C];
	s0 =	simm.s32 @p0 $0x1  }
0x13: {  	[smem:$0x3FB7] =	sst s0;
	s0 =	simm.s32 @!p1 $0x0  }
0x14: {  	s2 =	sld [smem:$0x3F9B];
	s0 =	simm.s32 @p1 $0x1  }
0x15: {  	[smem:$0x3FB8] =	sst s0;
	s0 =	simm.s32 @!p2 $0x0  }
0x16: {  	s3 =	sld [smem:$0x3FDB];
	s0 =	simm.s32 @p2 $0x1  }
0x17: {  	s4 =	simm.s32 $0x1BF5;
	[smem:$0x3FBA] =	sst s0  }
0x18: {  	s0 =	sld [smem:$0x3F9D];
	_ =	swait.ge [sflag:s4], $0x0  }
0x19: {  	s7 =	sld [smem:$0x3F9E]  }
0x1a: {  	s8 =	sadd.s32 $0xFFFFE003, lr  }
0x1b: {  	s9 =	sadd.s32 $0xFFFFFEF7, lr;
	s5 =	simm.s32 $0xFFFFFFFF;
	p2 =	slt.u32 s8, $0xFFFFF086  }
0x1c: {  	p1 =	slt.u32 s9, $0xF7A;
	s5 =	simm.s32 @!p2 $0x0  }
0x1d: {  	s5 =	simm.s32 @p1 $0x1;
	p0 =	seq.s32 s7, s2  }
0x1e: {  	s7 =	smul.u32 @!p0 $0xF7A, s2;
	p2 =	seq.s32 @!p0 s5, $0x0  }
0x1f: {  	s9 =	smul.u32 $0xF7A, s1;
	s8 =	simm.s32 @!p0 $0x1BF5;
	p2 =	por !p2, p0  }
0x20: {  	[sflag:s8] =	ssyncset.s32 @!p0 $0xFFFFF086;
	s6 =	sadd.s32 @!p0 s3, s7;
	s7 =	simm.s32 @!p0 $0x108  }
0x21: {  	s3 =	sadd.s32 s3, s9;
	s6 =	sadd.s32 @!p0 $0x88, s6;
	s7 =	simm.s32 @p2 $0x1082  }
0x22: {  	[simem:s7], [sflag:s8] =	dma.local @!p0 [hbm:s6], $0xF7A  }
0x23: {  	s9 =	sor.u32 $0xD0000000, s2;
	s6 =	simm.s32 $0x108;
	_ =	swait.ge @!p0 [sflag:s8], $0x0  }
0x24: {  	s3 =	sadd.s32 $0x88, s3;
	s6 =	simm.s32 @!p1 $0x1082;
	[sflag:s4] =	ssyncset.s32 $0xFFFFF086  }
0x25: {  	[simem:s6], [sflag:s4] =	dma.local [hbm:s3], $0xF7A  }
0x26: {  	[smem:$0x3F9E] =	sst s1;
	(tag) =	ssettag s2;
	_ =	strace s9  }
0x27: {  	s1 =	sld [smem:$0x3FAE]  }
0x28: {  	s2 =	sld [smem:$0x3FAF]  }
0x29: {  	s4 =	sld [smem:$0x3FB1]  }
0x2a: {  	p0 =	seq.s32 s5, $0x0;
	s5 =	sld [smem:$0x3FB2]  }
0x2b: {  	s6 =	sld [smem:$0x3FB3]  }
0x2c: {  	s7 =	sld [smem:$0x3FB4]  }
0x2d: {  	s3 =	simm.s32 $0x108;
	s8 =	sld [smem:$0x3FB5]  }
0x2e: {  	s3 =	simm.s32 @!p0 $0x1082;
	s9 =	sld [smem:$0x3FB6]  }
0x2f: {  	lr =	sadd.s32 s0, s3;
	s0 =	sld [smem:$0x3FAD]  }
0x30: {  	s3 =	sld [smem:$0x3FB0]  }
0x31: {  	[smem:$0x3FB9] =	sst s10  }
0x32: {  	s10 =	sld [smem:$0x3FB7];
	_ =	sdelay $0x3  }
0x33: {  	p0 =	seq.s32 s10, $0x1;
	s10 =	sld [smem:$0x3FB9];
	_ =	sdelay $0x3  }
0x34: {  	[smem:$0x3FB9] =	sst s10  }
0x35: {  	s10 =	sld [smem:$0x3FB8];
	_ =	sdelay $0x3  }
0x36: {  	p1 =	seq.s32 s10, $0x1;
	s10 =	sld [smem:$0x3FB9];
	_ =	sdelay $0x3  }
0x37: {  	[smem:$0x3FB9] =	sst s10  }
0x38: {  	s10 =	sld [smem:$0x3FBA]  }
0x39: {  	_ = 	snop;
	(pc) =	sbr.ind lr, $3  }
0x3a: {  	_ = 	snop  }
0x3b: {  	_ = 	snop  }
0x3c: {  	p2 =	seq.s32 s10, $0x1;
	s10 =	sld [smem:$0x3FB9]  }
0x3d: {  	_ =	shalt  }
0x3e: {  	_ =	shalt  }
0x3f: {  	_ =	shalt  }
0x40: {  	_ =	shalt  }
0x41: {  	_ =	shalt  }
0x42: {  	_ =	shalt  }
0x43: {  	_ =	shalt  }
0x44: {  	_ =	shalt  }
0x45: {  	_ =	shalt  }
0x46: {  	_ =	shalt  }
0x47: {  	_ =	shalt  }
0x48: {  	_ =	shalt  }
0x49: {  	_ =	shalt  }
0x4a: {  	_ =	shalt  }
0x4b: {  	_ =	shalt  }
0x4c: {  	_ =	shalt  }
0x4d: {  	_ =	shalt  }
0x4e: {  	_ =	shalt  }
0x4f: {  	_ =	shalt  }
0x50: {  	_ =	shalt  }
0x51: {  	_ =	shalt  }
0x52: {  	_ =	shalt  }
0x53: {  	_ =	shalt  }
0x54: {  	_ =	shalt  }
0x55: {  	_ =	shalt  }
0x56: {  	_ =	shalt  }
0x57: {  	_ =	shalt  }
0x58: {  	_ =	shalt  }
0x59: {  	_ =	shalt  }
0x5a: {  	_ =	shalt  }
0x5b: {  	_ =	shalt  }
0x5c: {  	_ =	shalt  }
0x5d: {  	_ =	shalt  }
0x5e: {  	_ =	shalt  }
0x5f: {  	_ =	shalt  }
0x60: {  	_ =	shalt  }
0x61: {  	_ =	shalt  }
0x62: {  	_ =	shalt  }
0x63: {  	_ =	shalt  }
0x64: {  	_ =	shalt  }
0x65: {  	_ =	shalt  }
0x66: {  	_ =	shalt  }
0x67: {  	_ =	shalt  }
0x68: {  	_ =	shalt  }
0x69: {  	_ =	shalt  }
0x6a: {  	_ =	shalt  }
0x6b: {  	_ =	shalt  }
0x6c: {  	_ =	shalt  }
0x6d: {  	_ =	shalt  }
0x6e: {  	_ =	shalt  }
0x6f: {  	_ =	shalt  }
0x70: {  	_ =	shalt  }
0x71: {  	_ =	shalt  }
0x72: {  	_ =	shalt  }
0x73: {  	_ =	shalt  }
0x74: {  	_ =	shalt  }
0x75: {  	_ =	shalt  }
0x76: {  	_ =	shalt  }
0x77: {  	_ =	shalt  }
0x78: {  	_ =	shalt  }
0x79: {  	_ =	shalt  }
0x7a: {  	_ =	shalt  }
0x7b: {  	_ =	shalt  }
0x7c: {  	_ =	shalt  }
0x7d: {  	_ =	shalt  }
0x7e: {  	_ =	shalt  }
0x7f: {  	_ =	shalt  }
0x80: {  	_ =	shalt  }
0x81: {  	_ =	shalt  }
0x82: {  	_ =	shalt  }
0x83: {  	_ =	shalt  }
0x84: {  	_ =	shalt  }
0x85: {  	_ =	shalt  }
0x86: {  	_ =	shalt  }
0x87: {  	_ =	shalt  }
.Lfunc_end0:
.L_simem_size_0:
called_computation_lowered:
.L_overlay_start_0:
0x88: {  	s2 =	sld [smem:$0x3FD9]  }
0x89: {  	s3 =	sld [smem:$0x3FFE];
	_ =	sdelay $0x1  }
0x8a: {  	s1 =	srdreg.scid  }
0x8b: {  	s0 =	sand.u32 $0x1, s1  }
0x8c: {  	s14 =	sshll.u32 s0, $0xA;
	s2 =	sadd.s32 s3, s2  }
0x8d: {  	s2 =	sadd.s32 s2, s14  }
0x8e: {  	[smem:$0x3FC5] =	sst s2  }
0x8f: {  	_ = 	snop  }
0x90: {  	s2 =	sld [smem:$0x3FD0];
	_ =	sdelay $0x2  }
0x91: {  	s4 =	simm.s32 $0xA;
	s5 =	simm.s32 $0x10;
	s15 =	sld [smem:$0x3FC8]  }
0x92: {  	[smem:s5], [sflag:s4] =	dma.local [hbm:s2], $0x1  }
0x93: {  	_ =	swait.eq [sflag:s4], $0x1  }
0x94: {  	[sflag:s4] =	ssyncset.done $0x0  }
0x95: {  	[sflag:s4] =	ssyncadd.s32 $0xFFFFFFFF  }
0x96: {  	s16 =	sld [smem:$0x10];
	(tm) =	ssettm $0x1  }
0x97: {  	s17 =	sld [smem:$0x3FFB];
	_ =	sdelay $0x3  }
0x98: {  	_ =	strace s17  }
0x99: {  	s4 =	sld [smem:$0x3FFC];
	_ =	sdelay $0x3  }
0x9a: {  	_ =	strace s4  }
0x9b: {  	s4 =	sld [smem:$0x3FFD];
	_ =	sdelay $0x3  }
0x9c: {  	_ =	strace s4  }
0x9d: {  	_ =	strace $0x8FFFFFFF  }
0x9e: {  	s18 =	sld [smem:$0x3FDB];
	_ =	sdelay $0x1  }
0x9f: {  	s19 =	simm.s32 $_scs_section_size  }
0xa0: {  	s6 =	simm.s32 $_size__tile_overlayer_lowered;
	s7 =	simm.s32 $_tile_overlayer_lowered  }
0xa1: {  	s22 =	simm.s32 $0x1BFF;
	s21 =	sshll.u32 s7, $0x1;
	s4 =	sadd.s32 s19, s18  }
0xa2: {  	s8 =	simm.s32 $0x0;
	s20 =	sshll.u32 s6, $0x1;
	s6 =	sadd.s32 s21, s4  }
0xa3: {  	[timem:s8], [sflag:s22] =	dma.local [hbm:s6], s20  }
0xa4: {  	_ =	swait.ge [sflag:s22], s20  }
0xa5: {  	s5 =	ssub.s32 $0x0, s20;
	[sflag:s22] =	ssyncset.done $0x0  }
0xa6: {  	[sflag:s22] =	ssyncadd.s32 s5;
	_ =	sdelay $0x1  }
0xa7: {  	s23 =	simm.s32 $0x1B8B  }
0xa8: {  	_ =	swait.ge [sflag:s23], $0x1  }
0xa9: {  	[sflag:s23] =	ssyncset.done $0x0  }
0xaa: {  	s25 =	simm.s32 $0x1B8E;
	s24 =	sld [smem:$0x3FFE];
	[sflag:s23] =	ssyncadd.s32 $0xFFFFFFFF  }
0xab: {  	s26 =	simm.s32 $execute0_lowered;
	[smem:$0x3FD2] =	sst s25  }
0xac: {  	s6 =	sshll.u32 s26, $0x1;
	_ =	strace $0x80000046;
	[dreg:$0x1] =	wrdreg $0xFFFFFFFF  }
0xad: {  	s28 =	simm.s32 $_size_execute0_lowered;
	s4 =	sadd.s32 s4, s6;
	[dreg:$0x0] =	wrdreg $0x0  }
0xae: {  	s6 =	sshll.u32 s28, $0x1;
	[dreg:$0x2] =	wrdreg s4  }
0xaf: {  	[dreg:$0x3] =	wrdreg s6  }
0xb0: {  	[dreg:$0x4] =	wrdreg $0xC0  }
0xb1: {  	_ =	task [dreg:s8], $0x5FFFF  }
0xb2: {  	[dreg:$0x1] =	wrdreg $0xFFFFFFFF  }
0xb3: {  	[dreg:$0x0] =	wrdreg $0x60  }
0xb4: {  	[dreg:$0x2] =	wrdreg s15  }
0xb5: {  	[dreg:$0x3] =	wrdreg s16  }
0xb6: {  	[dreg:$0x4] =	wrdreg s24  }
0xb7: {  	[dreg:$0x5] =	wrdreg $0x9  }
0xb8: {  	_ =	task.clear_ibuf [dreg:s8], $0x6FFFF;
	_ =	strace $0x90000046  }
0xb9: {  	s29 =	simm.s32 $0x9;
	_ =	strace $0x80000048  }
0xba: {  	_ =	swait.ge [sflag:s29], $0x1  }
0xbb: {  	[sflag:s29] =	ssyncadd.s32 $0xFFFFFFFF  }
0xbc: {  	_ =	strace $0x90000048  }
0xbd: {  	_ =	sfence  }
0xbe: {  	s30 =	sld [smem:$0x0];
	_ =	sdelay $0x2  }
0xbf: {  	s31 =	sshll.u32 s1, $0xD;
	s1 =	sshrl.u32 s1, $0x2  }
0xc0: {  	s3 =	sand.u32 $0x4000, s31;
	s1 =	sadd.s32 s1, s30  }
0xc1: {  	s0 =	sor.u32 s3, s0;
	s1 =	sshll.u32 s1, $0x11  }
0xc2: {  	s0 =	sor.u32 s1, s0  }
0xc3: {  	s0 =	sadd.s32 $0x8F2B, s0  }
0xc4: {  	[sflag:s0] =	ssyncadd.remote.s32 $0x1  }
0xc5: {  	_ =	sfence.sel $0xFFFF  }
0xc6: {  	[dreg:$0x0] =	wrdreg $0xFFFFFFFF;
	(pc) =	sbr.abs _section_cstart, $3  }
0xc7: {  	[dreg:$0x1] =	wrdreg $0xFFFFFFFF  }
0xc8: {  	_ =	task.clear_ibuf [dreg:s8], $0x2FFFF;
	_ =	strace $0x9FFFFFFF  }
0xc9: {  	(tm) =	ssettm $0x7FFFFFFF  }
tec
execute0_lowered:
.L_overlay_start_1:
0x0: {  	(tag) =	ssettag $0x1  }
0x1: {  	s3 =	rddreg [dreg:$0x0]  }
0x2: {  	s5 =	rddreg [dreg:$0x1]  }
0x3: {  	s4 =	rddreg [dreg:$0x2]  }
0x4: {  	s0 =	rddreg [dreg:$0x3]  }
0x5: {  	s2 =	simm.s32 $0x0;
	s6 =	srdreg.scid;
	s1 =	stileid.u32  }
0x6: {  	[smem:$0x7FF] =	sst s2;
	s6 =	sand.u32 $0x1, s6;
	s4 =	sadd.s32 $0x1000, s4  }
0x7: {  	s8 =	smul.u32 $0x1900, s1;
	_ =	strace $0x80000047;
	s7 =	ssub.s32 $0x2, s6  }
0x8: {  	p0 =	seq.s32 s6, $0x1;
	s6 =	smul.u32 $0x3A9, s6;
	s9 =	sshrl.u32 s7, $0x1  }
0x9: {  	s31 =	sshrl.u32 s8, $0x3;
	s5 =	smov.u32 @p0 s4;
	v0 =	vmov s8;
	s8 =	simm.s32 $0x0  }
0xa: {  	s7 =	ssub.s32 s7, s9;
	s3 =	sadd.s32 s3, s6;
	s5 =	sadd.s32 s5, s31  }
0xb: {  	v1 =	vimm.f32 $1.000000000e+00;
	v2 =	vimm.f32 $0.0e+00;
	s6 =	simm.s32 $0x1;
	s4 =	smax.u32 s7, $0x1;
	s7 =	simm.s32 $0x1D80  }
.LBB2_1:
0xc: {  	[tilespmem:s2], [sflag:$0x1] =	stream.linear.gather [hbm4b:s3+s2], $0x1D50, $0x38;
	[tilespmem:$0x3680] =	vst v63  }
0xd: {  	_ =	swait.ge [sflag:s6], $0x1D50  }
0xe: {  	[sflag:s6] =	ssyncset.done $0x0  }
0xf: {  	s9 =	simm.s32 $0x1DC0;
	[sflag:s6] =	ssyncadd.s32 $0xFFFFE2B0  }
0x10: {  	[tilespmem:s9+$0xFFFFFFC0] =	vst v1  }
0x11: {  	[tilespmem:s9+$0x30] =	vst v1  }
0x12: {  	[tilespmem:s9+$0x20] =	vst v1  }
0x13: {  	[tilespmem:s9+$0x10] =	vst v1  }
0x14: {  	[tilespmem:s9+$0x0] =	vst v1  }
0x15: {  	[tilespmem:s9+$0xFFFFFFF0] =	vst v1  }
0x16: {  	s11 =	simm.s32 $0x0;
	[tilespmem:s9+$0xFFFFFFE0] =	vst v1  }
.LBB2_2:
0x17: {  	s11 =	sadd.s32 $0x80, s11;
	[tilespmem:s9+$0xFFFFFFD0] =	vst v1;
	s9 =	sadd.s32 $0x80, s9;
	s10 =	simm.s32 $0x40  }
0x18: {  	[tilespmem:s9+$0xFFFFFFC0] =	vst v1;
	p0 =	slt.u32 s11, $0x1880  }
0x19: {  	[tilespmem:s9+$0x30] =	vst v1  }
.Ltmp0:
0x1a: {  	[tilespmem:s9+$0x20] =	vst v1;
	(pc) =	sbr.rel @p0 .LBB2_2-.Ltmp0, $4  }
0x1b: {  	[tilespmem:s9+$0x10] =	vst v1  }
0x1c: {  	[tilespmem:s9+$0x0] =	vst v1  }
0x1d: {  	[tilespmem:s9+$0xFFFFFFF0] =	vst v1  }
0x1e: {  	[tilespmem:s9+$0xFFFFFFE0] =	vst v1  }
0x1f: {  	[tilespmem:s9+$0xFFFFFFD0] =	vst v1  }
0x20: {  	v3 =	vld [tilespmem:s10+$0x30]  }
0x21: {  	v4 =	vld [tilespmem:s10+$0xFFFFFFD0]  }
0x22: {  	v5 =	vld [tilespmem:s10+$0xFFFFFFE0]  }
0x23: {  	v6 =	vld [tilespmem:s10+$0xFFFFFFF0]  }
0x24: {  	v7 =	vld [tilespmem:s10+$0x0]  }
0x25: {  	v8 =	vld [tilespmem:s10+$0x10];
	v3 =	vsub.s32 v3, v0  }
0x26: {  	v9 =	vld [tilespmem:s10+$0x20];
	v4 =	vsub.s32 v4, v0;
	vm2 =	vlt.u32 v3, $0x1900  }
0x27: {  	s31 =	simm.s32 $0xC0;
	v10 =	vld [tilespmem:s10+$0xFFFFFFC0];
	v5 =	vsub.s32 v5, v0;
	vm4 =	vlt.u32 v4, $0x1900;
	v11 =	vnsel vm2, $0x0, v3  }
0x28: {  	v12 =	vld [tilespmem:s31+$0x30];
	vm5 =	vlt.u32 v5, $0x1900;
	v13 =	vnsel vm4, $0x0, v4;
	v3 =	vsub.s32 v6, v0  }
0x29: {  	v14 =	vld [tilespmem:s31+$0xFFFFFFD0];
	v15 =	vnsel vm5, $0x0, v5;
	v5 =	vsub.s32 v7, v0;
	vm6 =	vlt.u32 v3, $0x1900  }
0x2a: {  	v16 =	vld [tilespmem:s31+$0xFFFFFFE0];
	v6 =	vsub.s32 v8, v0;
	vm1 =	vlt.u32 v5, $0x1900;
	v17 =	vnsel vm6, $0x0, v3  }
0x2b: {  	v4 =	vld [tilespmem:s31+$0xFFFFFFF0];
	v8 =	vsub.s32 v9, v0;
	vm0 =	vlt.u32 v6, $0x1900;
	v5 =	vnsel vm1, $0x0, v5  }
0x2c: {  	v9 =	vsub.s32 v10, v0;
	vm3 =	vlt.u32 v8, $0x1900;
	v3 =	vld [tilespmem:s31+$0x0];
	v7 =	vnsel vm0, $0x0, v6;
	[tilespmem:v11+s7+$0x0] =	vst.idx.msk vm2, v2  }
0x2d: {  	v12 =	vsub.s32 v12, v0;
	v6 =	vld [tilespmem:s31+$0x10];
	v10 =	vnsel vm3, $0x0, v8;
	vm2 =	vlt.u32 v9, $0x1900;
	[tilespmem:v13+s7+$0x0] =	vst.idx.msk vm4, v2  }
0x2e: {  	v8 =	vld [tilespmem:s31+$0x20];
	v13 =	vsub.s32 v14, v0;
	vm4 =	vlt.u32 v12, $0x1900;
	[tilespmem:v15+s7+$0x0] =	vst.idx.msk vm5, v2;
	v9 =	vnsel vm2, $0x0, v9  }
0x2f: {  	s9 =	simm.s32 $0x80;
	s10 =	simm.s32 $0x140;
	v11 =	vld [tilespmem:s31+$0xFFFFFFC0];
	v14 =	vsub.s32 v16, v0;
	vm5 =	vlt.u32 v13, $0x1900;
	v12 =	vnsel vm4, $0x0, v12;
	[tilespmem:v17+s7+$0x0] =	vst.idx.msk vm6, v2  }
.LBB2_4:
0x30: {  	v15 =	vld [tilespmem:s10+$0x30];
	s9 =	sadd.s32 $0x80, s9;
	v13 =	vnsel vm5, $0x0, v13;
	vm6 =	vlt.u32 v14, $0x1900;
	v4 =	vsub.s32 v4, v0;
	[tilespmem:v5+s7+$0x0] =	vst.idx.msk vm1, v2  }
0x31: {  	v16 =	vld [tilespmem:s10+$0xFFFFFFD0];
	p0 =	slt.u32 s9, $0x1C80;
	v14 =	vnsel vm6, $0x0, v14;
	vm7 =	vlt.u32 v4, $0x1900;
	v3 =	vsub.s32 v3, v0;
	[tilespmem:v7+s7+$0x0] =	vst.idx.msk vm0, v2  }
0x32: {  	v17 =	vld [tilespmem:s10+$0xFFFFFFE0];
	v18 =	vnsel vm7, $0x0, v4;
	vm1 =	vlt.u32 v3, $0x1900;
	v6 =	vsub.s32 v6, v0;
	[tilespmem:v10+s7+$0x0] =	vst.idx.msk vm3, v2  }
.Ltmp1:
0x33: {  	v4 =	vld [tilespmem:s10+$0xFFFFFFF0];
	v5 =	vnsel vm1, $0x0, v3;
	vm0 =	vlt.u32 v6, $0x1900;
	v8 =	vsub.s32 v8, v0;
	[tilespmem:v9+s7+$0x0] =	vst.idx.msk vm2, v2;
	(pc) =	sbr.rel @p0 .LBB2_4-.Ltmp1, $4  }
0x34: {  	v3 =	vld [tilespmem:s10+$0x0];
	v9 =	vsub.s32 v11, v0;
	v7 =	vnsel vm0, $0x0, v6;
	vm3 =	vlt.u32 v8, $0x1900;
	[tilespmem:v12+s7+$0x0] =	vst.idx.msk vm4, v2  }
0x35: {  	v6 =	vld [tilespmem:s10+$0x10];
	v12 =	vsub.s32 v15, v0;
	vm2 =	vlt.u32 v9, $0x1900;
	[tilespmem:v13+s7+$0x0] =	vst.idx.msk vm5, v2;
	v10 =	vnsel vm3, $0x0, v8  }
0x36: {  	v13 =	vsub.s32 v16, v0;
	v8 =	vld [tilespmem:s10+$0x20];
	vm4 =	vlt.u32 v12, $0x1900;
	v9 =	vnsel vm2, $0x0, v9;
	[tilespmem:v14+s7+$0x0] =	vst.idx.msk vm6, v2  }
0x37: {  	v11 =	vld [tilespmem:s10+$0xFFFFFFC0];
	vm5 =	vlt.u32 v13, $0x1900;
	v14 =	vsub.s32 v17, v0;
	v12 =	vnsel vm4, $0x0, v12;
	s10 =	sadd.s32 $0x80, s10;
	[tilespmem:v18+s7+$0x0] =	vst.idx.msk vm7, v2  }
0x38: {  	_ =	sdelay $0x4  }
0x39: {  	v13 =	vnsel vm5, $0x0, v13;
	vm6 =	vlt.u32 v14, $0x1900;
	v4 =	vsub.s32 v4, v0;
	[tilespmem:v5+s7+$0x0] =	vst.idx.msk vm1, v2  }
0x3a: {  	[tilespmem:v7+s7+$0x0] =	vst.idx.msk vm0, v2;
	v61 =	vnsel vm6, $0x0, v14;
	vm11 =	vlt.u32 v4, $0x1900;
	v3 =	vsub.s32 v3, v0  }
0x3b: {  	[tilespmem:v10+s7+$0x0] =	vst.idx.msk vm3, v2;
	v4 =	vnsel vm11, $0x0, v4;
	vm12 =	vlt.u32 v3, $0x1900;
	v6 =	vsub.s32 v6, v0  }
0x3c: {  	[tilespmem:v9+s7+$0x0] =	vst.idx.msk vm2, v2;
	v3 =	vnsel vm12, $0x0, v3;
	vm13 =	vlt.u32 v6, $0x1900;
	v62 =	vsub.s32 v8, v0  }
0x3d: {  	[tilespmem:v12+s7+$0x0] =	vst.idx.msk vm4, v2;
	v63 =	vsub.s32 v11, v0;
	v6 =	vnsel vm13, $0x0, v6;
	vm14 =	vlt.u32 v62, $0x1900  }
0x3e: {  	vm15 =	vlt.u32 v63, $0x1900;
	[tilespmem:v13+s7+$0x0] =	vst.idx.msk vm5, v2;
	v7 =	vnsel vm14, $0x0, v62  }
0x3f: {  	v8 =	vnsel vm15, $0x0, v63;
	[tilespmem:v61+s7+$0x0] =	vst.idx.msk vm6, v2  }
0x40: {  	[tilespmem:v4+s7+$0x0] =	vst.idx.msk vm11, v2  }
0x41: {  	[tilespmem:v3+s7+$0x0] =	vst.idx.msk vm12, v2  }
0x42: {  	[tilespmem:v6+s7+$0x0] =	vst.idx.msk vm13, v2  }
0x43: {  	[tilespmem:v7+s7+$0x0] =	vst.idx.msk vm14, v2  }
0x44: {  	s9 =	simm.s32 $0x1CF0;
	s10 =	simm.s32 $0x1D00;
	[tilespmem:v8+s7+$0x0] =	vst.idx.msk vm15, v2  }
.LBB2_6:
0x45: {  	v3 =	vld [tilespmem:s10+$0x0];
	_ =	sdelay $0x4  }
0x46: {  	v3 =	vsub.s32 v3, v0  }
0x47: {  	s9 =	sadd.s32 $0x10, s9;
	vm0 =	vlt.u32 v3, $0x1900  }
0x48: {  	p0 =	slt.u32 s9, $0x1D40;
	v3 =	vnsel vm0, $0x0, v3  }
.Ltmp2:
0x49: {  	_ = 	snop;
	(pc) =	sbr.rel @p0 .LBB2_6-.Ltmp2, $2  }
0x4a: {  	_ =	sdelay $0x2  }
0x4b: {  	s10 =	sadd.s32 $0x10, s10;
	[tilespmem:v3+s7+$0x0] =	vst.idx.msk vm0, v2  }
0x4c: {  	s8 =	sadd.s32 $0x1, s8  }
0x4d: {  	p0 =	sne.s32 s8, s4  }
.Ltmp3:
0x4e: {  	_ = 	snop;
	(pc) =	sbr.rel @p0 .LBB2_1-.Ltmp3, $4  }
0x4f: {  	[hbm4b:s5+s2] =	stream.linear.scatter [tilespmem:s7], [sflag:$0x1], $0x1900, $0x38;
	[tilespmem:$0x3680] =	vst v63  }
0x50: {  	_ =	swait.ge [sflag:s6], $0x1900  }
0x51: {  	[sflag:s6] =	ssyncset.done $0x0  }
0x52: {  	[sflag:s6] =	ssyncadd.s32 $0xFFFFE700  }
0x53: {  	_ =	sfence.sel $0x180000  }
0x54: {  	[bflag:$0x0] =	sbarrier.arrive $0xFFFF  }
0x55: {  	p0 =	sne.s32 s1, $0x0;
	_ =	strace $0x90000047  }
0x56: {  	s0 =	sadd.s32 @!p0 $0x100000, s0;
	[bflag:$0x2] =	sbarrier.arrive $0xFFFF  }
0x57: {  	[sflag:s0] =	ssyncadd.tile.s32 @!p0 $0x1;
	_ =	shalt  }
.Lfunc_end2:
_tile_overlayer_lowered:
.L_overlay_start_2:
0x58: {  	(tag) =	ssettag $0x2  }
0x59: {  	s0 =	rddreg [dreg:$0x0];
	s2 =	stileid.u32  }
0x5a: {  	s1 =	rddreg [dreg:$0x1];
	p0 =	sne.s32 s2, $0x0  }
0x5b: {  	s3 =	rddreg [dreg:$0x2];
	[bflag:$0x3] =	sbarrier.arrive $0xFFFF;
	s2 =	simm.s32 @!p0 $0x1C01  }
0x5c: {  	[timem:s3], [sflag:s2] =	dma.local @!p0 [hbm:s0], s1  }
0x5d: {  	s0 =	simm.s32 @!p0 $0x1  }
0x5e: {  	_ =	swait.ge @!p0 [sflag:s0], s1  }
0x5f: {  	s1 =	ssub.s32 @!p0 $0x0, s1;
	[sflag:s0] =	ssyncset.done @!p0 $0x0  }
0x60: {  	[sflag:s0] =	ssyncadd.s32 @!p0 s1  }
0x61: {  	[bflag:$0x3] =	sbarrier.arrive $0xFFFF  }
0x62: {  	_ =	shalt  }

</sc_bundles>
